<compile_context>
chip_gen: v7x
topology: tpu7x:2x2x1
jax: 0.10.2.dev20260603
libtpu: 0.0.44.dev20260713+nightly
codegen_flags: <defaults>
</compile_context>

<pallas_src>
import functools

import jax
import jax.numpy as jnp
from jax import lax
from jax.experimental import pallas as pl
from jax.experimental.pallas import tpu as pltpu
from jax.experimental.pallas import tpu_sc as plsc

_L = 16


def _merge16(a, b):
    rb = lax.rev(b, (0,))
    lo = jnp.minimum(a, rb)
    hi = jnp.maximum(a, rb)
    return lax.sort(lo), lax.sort(hi)


def _merge32(a0, a1, b0, b1):
    rb0 = lax.rev(b1, (0,))
    rb1 = lax.rev(b0, (0,))
    lo0 = jnp.minimum(a0, rb0)
    lo1 = jnp.minimum(a1, rb1)
    hi0 = jnp.maximum(a0, rb0)
    hi1 = jnp.maximum(a1, rb1)
    p0 = jnp.minimum(lo0, lo1)
    p1 = jnp.maximum(lo0, lo1)
    q0 = jnp.minimum(hi0, hi1)
    q1 = jnp.maximum(hi0, hi1)
    return lax.sort(p0), lax.sort(p1), lax.sort(q0), lax.sort(q1)


_N = 63


@functools.partial(
    pl.kernel,
    mesh=plsc.VectorSubcoreMesh(
        core_axis_name="c", subcore_axis_name="s", num_cores=1, num_subcores=1
    ),
    out_type=jax.ShapeDtypeStruct((_N,), jnp.float32),
    scratch_types=[
        pltpu.VMEM((_N,), jnp.float32),
        pltpu.VMEM((4 * _L,), jnp.float32),
    ],
    compiler_params=pltpu.CompilerParams(needs_layout_passes=False),
)
def _sc_sigmoid_sort(raw_hbm, out_hbm, x_v, o_v):
    is_w0 = jnp.logical_and(lax.axis_index("c") == 0, lax.axis_index("s") == 0)

    @pl.when(is_w0)
    def _():
        pltpu.sync_copy(raw_hbm, x_v)
        v = [x_v[pl.ds(o, _L)] for o in (0, 16, 32, 47)]
        v = [1.0 / (1.0 + jnp.exp(-u)) for u in v]
        lane = lax.iota(jnp.int32, _L)
        v[3] = jnp.where(lane == 0, jnp.float32(jnp.inf), v[3])
        s = [lax.sort(u) for u in v]
        a0, a1 = _merge16(s[0], s[1])
        b0, b1 = _merge16(s[2], s[3])
        f = _merge32(a0, a1, b0, b1)
        for i in range(4):
            o_v[pl.ds(i * _L, _L)] = f[i]
        pltpu.sync_copy(o_v.at[pl.ds(0, _N)], out_hbm)


@jax.jit
def kernel(raw):
    return _sc_sigmoid_sort(raw)

# --- scband reference (transcript-rebuilt; emitter-appended) ---
"""Pipeline reference for scband-shared-boundaries-38929583571294 (READ-ONLY COPY).

The authoritative reference and input builder live on the scoring server;
editing this copy changes nothing except your own understanding.
"""

import jax, jax.numpy as jnp
import numpy as np

EXPERT_NUM = 64

def setup_inputs(seed: int = 0) -> dict:
    key = jax.random.key(seed)
    # learned parameter: raw boundary logits, shape [expert_num - 1]
    raw = jax.random.uniform(key, (EXPERT_NUM - 1,), dtype=jnp.float32)
    return {"raw": raw}

def reference(raw) -> jnp.ndarray:
    # b = sigmoid(raw); b_sorted = sort(b)
    b = jax.nn.sigmoid(raw)
    b_sorted = jnp.sort(b)
    return b_sorted

if __name__ == "__main__":
    import jax
    _d = setup_inputs()
    print(jax.jit(kernel)(*tuple(_d.values())))

</pallas_src>

<mosaic_0001>
#map = affine_map<(d0, d1) -> (0)>
module attributes {stable_mosaic.version = 14 : i64} {
  func.func @_sc_sigmoid_sort(%arg0: i32, %arg1: i32, %arg2: memref<63xf32, #tpu.memory_space<hbm>>, %arg3: memref<63xf32, #tpu.memory_space<hbm>>, %arg4: memref<63xf32, #tpu.memory_space<vmem>>, %arg5: memref<64xf32, #tpu.memory_space<vmem>>) attributes {dimension_semantics = [#tpu.dimension_semantics<core_parallel>, #tpu.dimension_semantics<subcore_parallel>], iteration_bounds = array<i64: 1, 1>, scalar_prefetch = 0 : i64, scratch_operands = 2 : i64, tpu.core_type = #tpu.core_type<sc_vector_subcore>, window_params = [{transform_indices = #map}, {transform_indices = #map}]} {
    %eq3A = arith.constant 0 : i32
    %eq3A_0 = arith.cmpi eq, %arg0, %eq3A : i32
    %eq3A_1 = arith.constant 0 : i32
    %eq3A_2 = arith.cmpi eq, %arg1, %eq3A_1 : i32
    %and3A = arith.andi %eq3A_0, %eq3A_2 : i1
    %convert_element_type3A = arith.extui %and3A : i1 to i32
    %cond3A = arith.constant 0 : i32
    %cond3A_3 = arith.cmpi ne, %convert_element_type3A, %cond3A : i32
    scf.if %cond3A_3 {
      "tpu.region"() ({
        %run_scoped3A = tpu.sem_alloc : memref<!tpu.dma_semaphore, #tpu.memory_space<semaphore_mem>>
        tpu.enqueue_dma source(%arg2 : memref<63xf32, #tpu.memory_space<hbm>>) target(%arg4 : memref<63xf32, #tpu.memory_space<vmem>>) target_semaphore(%run_scoped3A : memref<!tpu.dma_semaphore, #tpu.memory_space<semaphore_mem>>)
        tpu.wait_dma2 semaphore(%run_scoped3A : memref<!tpu.dma_semaphore, #tpu.memory_space<semaphore_mem>>) src(%arg2 : memref<63xf32, #tpu.memory_space<hbm>>) dst(%arg4 : memref<63xf32, #tpu.memory_space<vmem>>)
        tpu.yield
      }) : () -> ()
      %get3A = arith.constant 0 : index
      %get3A_4 = tpu.vector_load %arg4[%get3A] {strides = array<i32>} : memref<63xf32, #tpu.memory_space<vmem>>, vector<16xf32>,
      %get3A_5 = arith.constant 16 : index
      %get3A_6 = tpu.vector_load %arg4[%get3A_5] {strides = array<i32>} : memref<63xf32, #tpu.memory_space<vmem>>, vector<16xf32>,
      %get3A_7 = arith.constant 32 : index
      %get3A_8 = tpu.vector_load %arg4[%get3A_7] {strides = array<i32>} : memref<63xf32, #tpu.memory_space<vmem>>, vector<16xf32>,
      %get3A_9 = arith.constant 47 : index
      %get3A_10 = tpu.vector_load %arg4[%get3A_9] {strides = array<i32>} : memref<63xf32, #tpu.memory_space<vmem>>, vector<16xf32>,
      %neg3A = arith.constant 0.000000e+00 : f32
      %neg3A_11 = vector.broadcast %neg3A : f32 to vector<16xf32>
      %neg3A_12 = arith.subf %neg3A_11, %get3A_4 : vector<16xf32>
      %exp3A = math.exp %neg3A_12 : vector<16xf32>
      %add3A = arith.constant 1.000000e+00 : f32
      %add3A_13 = vector.broadcast %add3A : f32 to vector<16xf32>
      %add3A_14 = arith.addf %add3A_13, %exp3A : vector<16xf32>
      %div3A = arith.constant 1.000000e+00 : f32
      %div3A_15 = vector.broadcast %div3A : f32 to vector<16xf32>
      %div3A_16 = arith.divf %div3A_15, %add3A_14 : vector<16xf32>
      %neg3A_17 = arith.constant 0.000000e+00 : f32
      %neg3A_18 = vector.broadcast %neg3A_17 : f32 to vector<16xf32>
      %neg3A_19 = arith.subf %neg3A_18, %get3A_6 : vector<16xf32>
      %exp3A_20 = math.exp %neg3A_19 : vector<16xf32>
      %add3A_21 = arith.constant 1.000000e+00 : f32
      %add3A_22 = vector.broadcast %add3A_21 : f32 to vector<16xf32>
      %add3A_23 = arith.addf %add3A_22, %exp3A_20 : vector<16xf32>
      %div3A_24 = arith.constant 1.000000e+00 : f32
      %div3A_25 = vector.broadcast %div3A_24 : f32 to vector<16xf32>
      %div3A_26 = arith.divf %div3A_25, %add3A_23 : vector<16xf32>
      %neg3A_27 = arith.constant 0.000000e+00 : f32
      %neg3A_28 = vector.broadcast %neg3A_27 : f32 to vector<16xf32>
      %neg3A_29 = arith.subf %neg3A_28, %get3A_8 : vector<16xf32>
      %exp3A_30 = math.exp %neg3A_29 : vector<16xf32>
      %add3A_31 = arith.constant 1.000000e+00 : f32
      %add3A_32 = vector.broadcast %add3A_31 : f32 to vector<16xf32>
      %add3A_33 = arith.addf %add3A_32, %exp3A_30 : vector<16xf32>
      %div3A_34 = arith.constant 1.000000e+00 : f32
      %div3A_35 = vector.broadcast %div3A_34 : f32 to vector<16xf32>
      %div3A_36 = arith.divf %div3A_35, %add3A_33 : vector<16xf32>
      %neg3A_37 = arith.constant 0.000000e+00 : f32
      %neg3A_38 = vector.broadcast %neg3A_37 : f32 to vector<16xf32>
      %neg3A_39 = arith.subf %neg3A_38, %get3A_10 : vector<16xf32>
      %exp3A_40 = math.exp %neg3A_39 : vector<16xf32>
      %add3A_41 = arith.constant 1.000000e+00 : f32
      %add3A_42 = vector.broadcast %add3A_41 : f32 to vector<16xf32>
      %add3A_43 = arith.addf %add3A_42, %exp3A_40 : vector<16xf32>
      %div3A_44 = arith.constant 1.000000e+00 : f32
      %div3A_45 = vector.broadcast %div3A_44 : f32 to vector<16xf32>
      %div3A_46 = arith.divf %div3A_45, %add3A_43 : vector<16xf32>
      %iota3A = tpu.iota {dimensions = array<i32: 0>} : vector<16xi32>
      %eq3A_47 = arith.constant 0 : i32
      %eq3A_48 = vector.broadcast %eq3A_47 : i32 to vector<16xi32>
      %eq3A_49 = arith.cmpi eq, %iota3A, %eq3A_48 : vector<16xi32>
      %jit3A = arith.constant 0x7F800000 : f32
      %broadcast_in_dim3A = vector.broadcast %jit3A : f32 to vector<16xf32>
      %select_n3A = arith.select %eq3A_49, %broadcast_in_dim3A, %div3A_46 : vector<16xi1>, vector<16xf32>
      %sort3A = arith.constant dense<true> : vector<16xi1>
      %sort3A_50, %sort3A_51, %sort3A_52 = tpu.sort %div3A_16, %div3A_16 masked %sort3A : (vector<16xf32>, vector<16xf32>, vector<16xi1>) -> (vector<16xi1>, vector<16xf32>, vector<16xf32>)
      %sort3A_53 = arith.constant dense<true> : vector<16xi1>
      %sort3A_54, %sort3A_55, %sort3A_56 = tpu.sort %div3A_26, %div3A_26 masked %sort3A_53 : (vector<16xf32>, vector<16xf32>, vector<16xi1>) -> (vector<16xi1>, vector<16xf32>, vector<16xf32>)
      %sort3A_57 = arith.constant dense<true> : vector<16xi1>
      %sort3A_58, %sort3A_59, %sort3A_60 = tpu.sort %div3A_36, %div3A_36 masked %sort3A_57 : (vector<16xf32>, vector<16xf32>, vector<16xi1>) -> (vector<16xi1>, vector<16xf32>, vector<16xf32>)
      %sort3A_61 = arith.constant dense<true> : vector<16xi1>
      %sort3A_62, %sort3A_63, %sort3A_64 = tpu.sort %select_n3A, %select_n3A masked %sort3A_61 : (vector<16xf32>, vector<16xf32>, vector<16xi1>) -> (vector<16xi1>, vector<16xf32>, vector<16xf32>)
      %rev3A = arith.constant 15 : i32
      %rev3A_65 = vector.broadcast %rev3A : i32 to vector<16xi32>
      %rev3A_66 = tpu.iota {dimensions = array<i32: 0>} : vector<16xi32>
      %rev3A_67 = arith.subi %rev3A_65, %rev3A_66 : vector<16xi32>
      %rev3A_68 = tpu.dynamic_gather %sort3A_55[%rev3A_67] in [0] : vector<16xf32>, vector<16xi32> -> vector<16xf32>
      %min3A = arith.minimumf %sort3A_51, %rev3A_68 : vector<16xf32>
      %max3A = arith.maximumf %sort3A_51, %rev3A_68 : vector<16xf32>
      %sort3A_69 = arith.constant dense<true> : vector<16xi1>
      %sort3A_70, %sort3A_71, %sort3A_72 = tpu.sort %min3A, %min3A masked %sort3A_69 : (vector<16xf32>, vector<16xf32>, vector<16xi1>) -> (vector<16xi1>, vector<16xf32>, vector<16xf32>)
      %sort3A_73 = arith.constant dense<true> : vector<16xi1>
      %sort3A_74, %sort3A_75, %sort3A_76 = tpu.sort %max3A, %max3A masked %sort3A_73 : (vector<16xf32>, vector<16xf32>, vector<16xi1>) -> (vector<16xi1>, vector<16xf32>, vector<16xf32>)
      %rev3A_77 = arith.constant 15 : i32
      %rev3A_78 = vector.broadcast %rev3A_77 : i32 to vector<16xi32>
      %rev3A_79 = tpu.iota {dimensions = array<i32: 0>} : vector<16xi32>
      %rev3A_80 = arith.subi %rev3A_78, %rev3A_79 : vector<16xi32>
      %rev3A_81 = tpu.dynamic_gather %sort3A_63[%rev3A_80] in [0] : vector<16xf32>, vector<16xi32> -> vector<16xf32>
      %min3A_82 = arith.minimumf %sort3A_59, %rev3A_81 : vector<16xf32>
      %max3A_83 = arith.maximumf %sort3A_59, %rev3A_81 : vector<16xf32>
      %sort3A_84 = arith.constant dense<true> : vector<16xi1>
      %sort3A_85, %sort3A_86, %sort3A_87 = tpu.sort %min3A_82, %min3A_82 masked %sort3A_84 : (vector<16xf32>, vector<16xf32>, vector<16xi1>) -> (vector<16xi1>, vector<16xf32>, vector<16xf32>)
      %sort3A_88 = arith.constant dense<true> : vector<16xi1>
      %sort3A_89, %sort3A_90, %sort3A_91 = tpu.sort %max3A_83, %max3A_83 masked %sort3A_88 : (vector<16xf32>, vector<16xf32>, vector<16xi1>) -> (vector<16xi1>, vector<16xf32>, vector<16xf32>)
      %rev3A_92 = arith.constant 15 : i32
      %rev3A_93 = vector.broadcast %rev3A_92 : i32 to vector<16xi32>
      %rev3A_94 = tpu.iota {dimensions = array<i32: 0>} : vector<16xi32>
      %rev3A_95 = arith.subi %rev3A_93, %rev3A_94 : vector<16xi32>
      %rev3A_96 = tpu.dynamic_gather %sort3A_90[%rev3A_95] in [0] : vector<16xf32>, vector<16xi32> -> vector<16xf32>
      %rev3A_97 = arith.constant 15 : i32
      %rev3A_98 = vector.broadcast %rev3A_97 : i32 to vector<16xi32>
      %rev3A_99 = tpu.iota {dimensions = array<i32: 0>} : vector<16xi32>
      %rev3A_100 = arith.subi %rev3A_98, %rev3A_99 : vector<16xi32>
      %rev3A_101 = tpu.dynamic_gather %sort3A_86[%rev3A_100] in [0] : vector<16xf32>, vector<16xi32> -> vector<16xf32>
      %min3A_102 = arith.minimumf %sort3A_71, %rev3A_96 : vector<16xf32>
      %min3A_103 = arith.minimumf %sort3A_75, %rev3A_101 : vector<16xf32>
      %max3A_104 = arith.maximumf %sort3A_71, %rev3A_96 : vector<16xf32>
      %max3A_105 = arith.maximumf %sort3A_75, %rev3A_101 : vector<16xf32>
      %min3A_106 = arith.minimumf %min3A_102, %min3A_103 : vector<16xf32>
      %max3A_107 = arith.maximumf %min3A_102, %min3A_103 : vector<16xf32>
      %min3A_108 = arith.minimumf %max3A_104, %max3A_105 : vector<16xf32>
      %max3A_109 = arith.maximumf %max3A_104, %max3A_105 : vector<16xf32>
      %sort3A_110 = arith.constant dense<true> : vector<16xi1>
      %sort3A_111, %sort3A_112, %sort3A_113 = tpu.sort %min3A_106, %min3A_106 masked %sort3A_110 : (vector<16xf32>, vector<16xf32>, vector<16xi1>) -> (vector<16xi1>, vector<16xf32>, vector<16xf32>)
      %sort3A_114 = arith.constant dense<true> : vector<16xi1>
      %sort3A_115, %sort3A_116, %sort3A_117 = tpu.sort %max3A_107, %max3A_107 masked %sort3A_114 : (vector<16xf32>, vector<16xf32>, vector<16xi1>) -> (vector<16xi1>, vector<16xf32>, vector<16xf32>)
      %sort3A_118 = arith.constant dense<true> : vector<16xi1>
      %sort3A_119, %sort3A_120, %sort3A_121 = tpu.sort %min3A_108, %min3A_108 masked %sort3A_118 : (vector<16xf32>, vector<16xf32>, vector<16xi1>) -> (vector<16xi1>, vector<16xf32>, vector<16xf32>)
      %sort3A_122 = arith.constant dense<true> : vector<16xi1>
      %sort3A_123, %sort3A_124, %sort3A_125 = tpu.sort %max3A_109, %max3A_109 masked %sort3A_122 : (vector<16xf32>, vector<16xf32>, vector<16xi1>) -> (vector<16xi1>, vector<16xf32>, vector<16xf32>)
      %swap3A = arith.constant 0 : index
      %swap3A_126 = tpu.vector_load %arg5[%swap3A] {strides = array<i32>} : memref<64xf32, #tpu.memory_space<vmem>>, vector<16xf32>,
      tpu.vector_store %arg5[%swap3A], %sort3A_112 {strides = array<i32>} : memref<64xf32, #tpu.memory_space<vmem>>, vector<16xf32>,
      %swap3A_127 = arith.constant 16 : index
      %swap3A_128 = tpu.vector_load %arg5[%swap3A_127] {strides = array<i32>} : memref<64xf32, #tpu.memory_space<vmem>>, vector<16xf32>,
      tpu.vector_store %arg5[%swap3A_127], %sort3A_116 {strides = array<i32>} : memref<64xf32, #tpu.memory_space<vmem>>, vector<16xf32>,
      %swap3A_129 = arith.constant 32 : index
      %swap3A_130 = tpu.vector_load %arg5[%swap3A_129] {strides = array<i32>} : memref<64xf32, #tpu.memory_space<vmem>>, vector<16xf32>,
      tpu.vector_store %arg5[%swap3A_129], %sort3A_120 {strides = array<i32>} : memref<64xf32, #tpu.memory_space<vmem>>, vector<16xf32>,
      %swap3A_131 = arith.constant 48 : index
      %swap3A_132 = tpu.vector_load %arg5[%swap3A_131] {strides = array<i32>} : memref<64xf32, #tpu.memory_space<vmem>>, vector<16xf32>,
      tpu.vector_store %arg5[%swap3A_131], %sort3A_124 {strides = array<i32>} : memref<64xf32, #tpu.memory_space<vmem>>, vector<16xf32>,
      "tpu.region"() ({
        %run_scoped3A = tpu.sem_alloc : memref<!tpu.dma_semaphore, #tpu.memory_space<semaphore_mem>>
        %dma_start3A = arith.constant 0 : i32
        %dma_start3A_133 = tpu.memref_slice %arg5[%dma_start3A] : memref<64xf32, #tpu.memory_space<vmem>> -> memref<63xf32, #tpu.memory_space<vmem>>
        %dma_start3A_134 = arith.constant 0 : i32
        %dma_start3A_135 = tpu.memref_slice %arg5[%dma_start3A_134] : memref<64xf32, #tpu.memory_space<vmem>> -> memref<63xf32, #tpu.memory_space<vmem>>
        tpu.enqueue_dma source(%dma_start3A_135 : memref<63xf32, #tpu.memory_space<vmem>>) target(%arg3 : memref<63xf32, #tpu.memory_space<hbm>>) target_semaphore(%run_scoped3A : memref<!tpu.dma_semaphore, #tpu.memory_space<semaphore_mem>>)
        %dma_wait3A = arith.constant 0 : i32
        %dma_wait3A_136 = tpu.memref_slice %arg5[%dma_wait3A] : memref<64xf32, #tpu.memory_space<vmem>> -> memref<63xf32, #tpu.memory_space<vmem>>
        %dma_wait3A_137 = arith.constant 0 : i32
        %dma_wait3A_138 = tpu.memref_slice %arg5[%dma_wait3A_137] : memref<64xf32, #tpu.memory_space<vmem>> -> memref<63xf32, #tpu.memory_space<vmem>>
        tpu.wait_dma2 semaphore(%run_scoped3A : memref<!tpu.dma_semaphore, #tpu.memory_space<semaphore_mem>>) src(%dma_wait3A_138 : memref<63xf32, #tpu.memory_space<vmem>>) dst(%arg3 : memref<63xf32, #tpu.memory_space<hbm>>)
        tpu.yield
      }) : () -> ()
    } else {
    }
    return
  }
}

</mosaic_0001>

<sc_bundles>
// kernel: kernel.3.cloned.1.call-start
scs
__scs_entry_jumppad:
0x0: {  	(pc) =	sbr.rel $0x88, $3  }
0x1: {  	(tag) =	ssettag $0x0;
	lr =	simm.s32 $0x1  }
0x2: {  	[smem:$0x3FA0] =	sst lr;
	_ =	strace $0xD0000000  }
0x3: {  	_ = 	snop  }
0x4: {  	_ = 	snop  }
0x5: {  	_ = 	snop  }
0x6: {  	_ = 	snop  }
0x7: {  	_ = 	snop  }
__scs_overlays_trampoline_lowered:
0x8: {  	[smem:$0x3FAF] =	sst s0  }
0x9: {  	[smem:$0x3FB0] =	sst s1  }
0xa: {  	[smem:$0x3FB1] =	sst s2  }
0xb: {  	[smem:$0x3FB2] =	sst s3  }
0xc: {  	[smem:$0x3FB3] =	sst s4  }
0xd: {  	[smem:$0x3FB4] =	sst s5  }
0xe: {  	[smem:$0x3FB5] =	sst s6  }
0xf: {  	[smem:$0x3FB6] =	sst s7  }
0x10: {  	[smem:$0x3FB7] =	sst s8  }
0x11: {  	[smem:$0x3FB8] =	sst s9;
	s0 =	simm.s32 @!p0 $0x0  }
0x12: {  	s1 =	sld [smem:$0x3F9E];
	s0 =	simm.s32 @p0 $0x1  }
0x13: {  	[smem:$0x3FB9] =	sst s0;
	s0 =	simm.s32 @!p1 $0x0  }
0x14: {  	s2 =	sld [smem:$0x3F9D];
	s0 =	simm.s32 @p1 $0x1  }
0x15: {  	[smem:$0x3FBA] =	sst s0;
	s0 =	simm.s32 @!p2 $0x0  }
0x16: {  	s3 =	sld [smem:$0x3FDB];
	s0 =	simm.s32 @p2 $0x1  }
0x17: {  	s4 =	simm.s32 $0x1BF5;
	[smem:$0x3FBC] =	sst s0  }
0x18: {  	s0 =	sld [smem:$0x3F9F];
	_ =	swait.ge [sflag:s4], $0x0  }
0x19: {  	s7 =	sld [smem:$0x3FA0]  }
0x1a: {  	s8 =	sadd.s32 $0xFFFFE003, lr  }
0x1b: {  	s9 =	sadd.s32 $0xFFFFFEF7, lr;
	s5 =	simm.s32 $0xFFFFFFFF;
	p2 =	slt.u32 s8, $0xFFFFF086  }
0x1c: {  	p1 =	slt.u32 s9, $0xF7A;
	s5 =	simm.s32 @!p2 $0x0  }
0x1d: {  	s5 =	simm.s32 @p1 $0x1;
	p0 =	seq.s32 s7, s2  }
0x1e: {  	s7 =	smul.u32 @!p0 $0xF7A, s2;
	p2 =	seq.s32 @!p0 s5, $0x0  }
0x1f: {  	s9 =	smul.u32 $0xF7A, s1;
	s8 =	simm.s32 @!p0 $0x1BF5;
	p2 =	por !p2, p0  }
0x20: {  	[sflag:s8] =	ssyncset.s32 @!p0 $0xFFFFF086;
	s6 =	sadd.s32 @!p0 s3, s7;
	s7 =	simm.s32 @!p0 $0x108  }
0x21: {  	s3 =	sadd.s32 s3, s9;
	s6 =	sadd.s32 @!p0 $0x88, s6;
	s7 =	simm.s32 @p2 $0x1082  }
0x22: {  	[simem:s7], [sflag:s8] =	dma.local @!p0 [hbm:s6], $0xF7A  }
0x23: {  	s9 =	sor.u32 $0xD0000000, s2;
	s6 =	simm.s32 $0x108;
	_ =	swait.ge @!p0 [sflag:s8], $0x0  }
0x24: {  	s3 =	sadd.s32 $0x88, s3;
	s6 =	simm.s32 @!p1 $0x1082;
	[sflag:s4] =	ssyncset.s32 $0xFFFFF086  }
0x25: {  	[simem:s6], [sflag:s4] =	dma.local [hbm:s3], $0xF7A  }
0x26: {  	[smem:$0x3FA0] =	sst s1;
	(tag) =	ssettag s2;
	_ =	strace s9  }
0x27: {  	s1 =	sld [smem:$0x3FB0]  }
0x28: {  	s2 =	sld [smem:$0x3FB1]  }
0x29: {  	s4 =	sld [smem:$0x3FB3]  }
0x2a: {  	p0 =	seq.s32 s5, $0x0;
	s5 =	sld [smem:$0x3FB4]  }
0x2b: {  	s6 =	sld [smem:$0x3FB5]  }
0x2c: {  	s7 =	sld [smem:$0x3FB6]  }
0x2d: {  	s3 =	simm.s32 $0x108;
	s8 =	sld [smem:$0x3FB7]  }
0x2e: {  	s3 =	simm.s32 @!p0 $0x1082;
	s9 =	sld [smem:$0x3FB8]  }
0x2f: {  	lr =	sadd.s32 s0, s3;
	s0 =	sld [smem:$0x3FAF]  }
0x30: {  	s3 =	sld [smem:$0x3FB2]  }
0x31: {  	[smem:$0x3FBB] =	sst s10  }
0x32: {  	s10 =	sld [smem:$0x3FB9];
	_ =	sdelay $0x3  }
0x33: {  	p0 =	seq.s32 s10, $0x1;
	s10 =	sld [smem:$0x3FBB];
	_ =	sdelay $0x3  }
0x34: {  	[smem:$0x3FBB] =	sst s10  }
0x35: {  	s10 =	sld [smem:$0x3FBA];
	_ =	sdelay $0x3  }
0x36: {  	p1 =	seq.s32 s10, $0x1;
	s10 =	sld [smem:$0x3FBB];
	_ =	sdelay $0x3  }
0x37: {  	[smem:$0x3FBB] =	sst s10  }
0x38: {  	s10 =	sld [smem:$0x3FBC]  }
0x39: {  	_ = 	snop;
	(pc) =	sbr.ind lr, $3  }
0x3a: {  	_ = 	snop  }
0x3b: {  	_ = 	snop  }
0x3c: {  	p2 =	seq.s32 s10, $0x1;
	s10 =	sld [smem:$0x3FBB]  }
0x3d: {  	_ =	shalt  }
0x3e: {  	_ =	shalt  }
0x3f: {  	_ =	shalt  }
0x40: {  	_ =	shalt  }
0x41: {  	_ =	shalt  }
0x42: {  	_ =	shalt  }
0x43: {  	_ =	shalt  }
0x44: {  	_ =	shalt  }
0x45: {  	_ =	shalt  }
0x46: {  	_ =	shalt  }
0x47: {  	_ =	shalt  }
0x48: {  	_ =	shalt  }
0x49: {  	_ =	shalt  }
0x4a: {  	_ =	shalt  }
0x4b: {  	_ =	shalt  }
0x4c: {  	_ =	shalt  }
0x4d: {  	_ =	shalt  }
0x4e: {  	_ =	shalt  }
0x4f: {  	_ =	shalt  }
0x50: {  	_ =	shalt  }
0x51: {  	_ =	shalt  }
0x52: {  	_ =	shalt  }
0x53: {  	_ =	shalt  }
0x54: {  	_ =	shalt  }
0x55: {  	_ =	shalt  }
0x56: {  	_ =	shalt  }
0x57: {  	_ =	shalt  }
0x58: {  	_ =	shalt  }
0x59: {  	_ =	shalt  }
0x5a: {  	_ =	shalt  }
0x5b: {  	_ =	shalt  }
0x5c: {  	_ =	shalt  }
0x5d: {  	_ =	shalt  }
0x5e: {  	_ =	shalt  }
0x5f: {  	_ =	shalt  }
0x60: {  	_ =	shalt  }
0x61: {  	_ =	shalt  }
0x62: {  	_ =	shalt  }
0x63: {  	_ =	shalt  }
0x64: {  	_ =	shalt  }
0x65: {  	_ =	shalt  }
0x66: {  	_ =	shalt  }
0x67: {  	_ =	shalt  }
0x68: {  	_ =	shalt  }
0x69: {  	_ =	shalt  }
0x6a: {  	_ =	shalt  }
0x6b: {  	_ =	shalt  }
0x6c: {  	_ =	shalt  }
0x6d: {  	_ =	shalt  }
0x6e: {  	_ =	shalt  }
0x6f: {  	_ =	shalt  }
0x70: {  	_ =	shalt  }
0x71: {  	_ =	shalt  }
0x72: {  	_ =	shalt  }
0x73: {  	_ =	shalt  }
0x74: {  	_ =	shalt  }
0x75: {  	_ =	shalt  }
0x76: {  	_ =	shalt  }
0x77: {  	_ =	shalt  }
0x78: {  	_ =	shalt  }
0x79: {  	_ =	shalt  }
0x7a: {  	_ =	shalt  }
0x7b: {  	_ =	shalt  }
0x7c: {  	_ =	shalt  }
0x7d: {  	_ =	shalt  }
0x7e: {  	_ =	shalt  }
0x7f: {  	_ =	shalt  }
0x80: {  	_ =	shalt  }
0x81: {  	_ =	shalt  }
0x82: {  	_ =	shalt  }
0x83: {  	_ =	shalt  }
0x84: {  	_ =	shalt  }
0x85: {  	_ =	shalt  }
0x86: {  	_ =	shalt  }
0x87: {  	_ =	shalt  }
.Lfunc_end0:
.L_simem_size_0:
called_computation_lowered:
.L_overlay_start_0:
0x88: {  	s0 =	sld [smem:$0x3FD9]  }
0x89: {  	s1 =	sld [smem:$0x3FFE];
	_ =	sdelay $0x3  }
0x8a: {  	s0 =	sadd.s32 s1, s0  }
0x8b: {  	[smem:$0x3FC7] =	sst s0  }
0x8c: {  	_ = 	snop  }
0x8d: {  	s0 =	sld [smem:$0x3FC9]  }
0x8e: {  	s17 =	sld [smem:$0x3FD0];
	(tm) =	ssettm $0x1  }
0x8f: {  	s2 =	sld [smem:$0x3FFB];
	_ =	sdelay $0x3  }
0x90: {  	_ =	strace s2  }
0x91: {  	s2 =	sld [smem:$0x3FFC];
	_ =	sdelay $0x3  }
0x92: {  	_ =	strace s2  }
0x93: {  	s2 =	sld [smem:$0x3FFD];
	_ =	sdelay $0x3  }
0x94: {  	_ =	strace s2  }
0x95: {  	_ =	strace $0x8FFFFFFF  }
0x96: {  	s18 =	sld [smem:$0x3FDB];
	_ =	sdelay $0x1  }
0x97: {  	s3 =	simm.s32 $_scs_section_size  }
0x98: {  	s4 =	simm.s32 $_size__tile_overlayer_lowered;
	s5 =	simm.s32 $_tile_overlayer_lowered  }
0x99: {  	s21 =	simm.s32 $0x1BFF;
	s20 =	sshll.u32 s5, $0x1;
	s2 =	sadd.s32 s3, s18  }
0x9a: {  	s6 =	simm.s32 $0x0;
	s19 =	sshll.u32 s4, $0x1;
	s4 =	sadd.s32 s20, s2  }
0x9b: {  	[timem:s6], [sflag:s21] =	dma.local [hbm:s4], s19  }
0x9c: {  	_ =	swait.ge [sflag:s21], s19  }
0x9d: {  	s3 =	ssub.s32 $0x0, s19;
	[sflag:s21] =	ssyncset.done $0x0  }
0x9e: {  	[sflag:s21] =	ssyncadd.s32 s3;
	_ =	sdelay $0x1  }
0x9f: {  	s22 =	simm.s32 $0x1B8B  }
0xa0: {  	_ =	swait.ge [sflag:s22], $0x1  }
0xa1: {  	[sflag:s22] =	ssyncset.done $0x0  }
0xa2: {  	s23 =	simm.s32 $0x1B8E;
	[sflag:s22] =	ssyncadd.s32 $0xFFFFFFFF  }
0xa3: {  	s24 =	simm.s32 $execute0_lowered;
	[smem:$0x3FD2] =	sst s23  }
0xa4: {  	s3 =	sshll.u32 s24, $0x1;
	_ =	strace $0x80000046;
	[dreg:$0x1] =	wrdreg $0xFFFFFFFF  }
0xa5: {  	s25 =	simm.s32 $_size_execute0_lowered;
	s2 =	sadd.s32 s2, s3;
	[dreg:$0x0] =	wrdreg $0x0  }
0xa6: {  	s3 =	sshll.u32 s25, $0x1;
	[dreg:$0x2] =	wrdreg s2  }
0xa7: {  	[dreg:$0x3] =	wrdreg s3  }
0xa8: {  	[dreg:$0x4] =	wrdreg $0xC0  }
0xa9: {  	_ =	task [dreg:s6], $0x5FFFF  }
0xaa: {  	[dreg:$0x1] =	wrdreg $0xFFFFFFFF  }
0xab: {  	[dreg:$0x0] =	wrdreg $0x60  }
0xac: {  	[dreg:$0x2] =	wrdreg s0  }
0xad: {  	[dreg:$0x3] =	wrdreg s17  }
0xae: {  	[dreg:$0x4] =	wrdreg $0x9  }
0xaf: {  	_ =	task.clear_ibuf [dreg:s6], $0x5FFFF;
	_ =	strace $0x90000046  }
0xb0: {  	s26 =	simm.s32 $0x9;
	_ =	strace $0x80000048  }
0xb1: {  	_ =	swait.ge [sflag:s26], $0x1  }
0xb2: {  	[sflag:s26] =	ssyncadd.s32 $0xFFFFFFFF  }
0xb3: {  	_ =	strace $0x90000048  }
0xb4: {  	_ =	sfence  }
0xb5: {  	s28 =	sld [smem:$0x0];
	_ =	sdelay $0x1  }
0xb6: {  	s29 =	srdreg.scid  }
0xb7: {  	s30 =	sshll.u32 s29, $0xD;
	s31 =	sshrl.u32 s29, $0x2  }
0xb8: {  	s1 =	sand.u32 $0x1, s29;
	s2 =	sand.u32 $0x4000, s30;
	s0 =	sadd.s32 s31, s28  }
0xb9: {  	s1 =	sor.u32 s2, s1;
	s0 =	sshll.u32 s0, $0x11  }
0xba: {  	s0 =	sor.u32 s0, s1  }
0xbb: {  	s0 =	sadd.s32 $0x8F2B, s0  }
0xbc: {  	[sflag:s0] =	ssyncadd.remote.s32 $0x1  }
0xbd: {  	_ =	sfence.sel $0xFFFF  }
0xbe: {  	[dreg:$0x0] =	wrdreg $0xFFFFFFFF;
	(pc) =	sbr.abs _section_cstart, $3  }
0xbf: {  	[dreg:$0x1] =	wrdreg $0xFFFFFFFF  }
0xc0: {  	_ =	task.clear_ibuf [dreg:s6], $0x2FFFF;
	_ =	strace $0x9FFFFFFF  }
0xc1: {  	(tm) =	ssettm $0x7FFFFFFF  }
tec
execute0_lowered:
.L_overlay_start_1:
0x0: {  	(tag) =	ssettag $0x1  }
0x1: {  	s3 =	stileid.u32  }
0x2: {  	p0 =	sne.s32 s3, $0x0  }
.Ltmp0:
0x3: {  	_ = 	snop;
	(pc) =	sbr.rel @p0 .LBB2_2-.Ltmp0, $4  }
0x4: {  	_ = 	snop  }
0x5: {  	s2 =	rddreg [dreg:$0x0]  }
0x6: {  	s1 =	rddreg [dreg:$0x1]  }
0x7: {  	s0 =	rddreg [dreg:$0x2];
	_ =	strace $0x80000047  }
0x8: {  	s3 =	simm.s32 $0x0;
	s31 =	simm.s32 $0x1  }
0x9: {  	[tilespmem:s3], [sflag:$0x1] =	stream.linear.gather [hbm4b:s2+s3], $0x80, $0x38;
	[tilespmem:$0x100] =	vst v63  }
0xa: {  	_ =	swait.ge [sflag:s31], $0x80  }
0xb: {  	[sflag:s31] =	ssyncset.done $0x0  }
0xc: {  	[sflag:s31] =	ssyncadd.s32 $0xFFFFFF80  }
0xd: {  	v0 =	vld [tilespmem:$0x0];
	_ =	sdelay $0x4  }
0xe: {  	v0 =	vsub.f32 $0.0e+00, v0;
	_ =	sdelay $0x1  }
0xf: {  	v0 =	vmul.f32 $1.442695020e+00, v0;
	_ =	sdelay $0x1  }
0x10: {  	(erf) = vpow2.f32 v0;
	_ =	sdelay $0x3  }
0x11: {  	v39 =	vld [tilespmem:$0x10];
	_ =	sdelay $0x4  }
0x12: {  	v0 =	vsub.f32 $0.0e+00, v39;
	v1 =	vpop (erf)  }
0x13: {  	v1 =	vadd.f32 $1.000000000e+00, v1  }
0x14: {  	v0 =	vmul.f32 $1.442695020e+00, v0  }
0x15: {  	(erf) = vrcp.f32 v1  }
0x16: {  	(erf) = vpow2.f32 v0;
	_ =	sdelay $0x3  }
0x17: {  	v40 =	vld [tilespmem:$0x20];
	_ =	sdelay $0x3  }
0x18: {  	v1 =	vpop (erf)  }
0x19: {  	v0 =	vsub.f32 $0.0e+00, v40;
	v2 =	vpop (erf)  }
0x1a: {  	v2 =	vadd.f32 $1.000000000e+00, v2  }
0x1b: {  	v0 =	vmul.f32 $1.442695020e+00, v0  }
0x1c: {  	(erf) = vrcp.f32 v2  }
0x1d: {  	(erf) = vpow2.f32 v0;
	_ =	sdelay $0x3  }
0x1e: {  	v41 =	vld [tilespmem:$0x2F];
	_ =	sdelay $0x3  }
0x1f: {  	v2 =	vpop (erf)  }
0x20: {  	v0 =	vsub.f32 $0.0e+00, v41;
	v3 =	vpop (erf)  }
0x21: {  	v3 =	vadd.f32 $1.000000000e+00, v3  }
0x22: {  	v0 =	vmul.f32 $1.442695020e+00, v0  }
0x23: {  	(erf) = vrcp.f32 v3  }
0x24: {  	(erf) = vpow2.f32 v0;
	_ =	sdelay $0x7  }
0x25: {  	v42 =	vpop (erf)  }
0x26: {  	v43 =	vpop (erf)  }
0x27: {  	v3 =	vadd.f32 $1.000000000e+00, v43;
	_ =	sdelay $0x1  }
0x28: {  	(erf) = vrcp.f32 v3;
	_ =	sdelay $0x7  }
0x29: {  	v44 =	vlaneseq.u32;
	(xrf1) =	vsort.ascd.msk.f32 $0xffff, v1, v1  }
0x2a: {  	vm0 =	veq.s32 v44, $0x0;
	(xrf1) =	vsort.ascd.msk.f32 $0xffff, v2, v2;
	v45 =	vpop (erf)  }
0x2b: {  	(xrf1) =	vsort.ascd.msk.f32 $0xffff, v42, v42;
	v1 =	vsel vm0, $0x7F800000, v45  }
0x2c: {  	(xrf1) =	vsort.ascd.msk.f32 $0xffff, v1, v1;
	_ =	sdelay $0x9  }
0x2d: {  	v46 =	vmul.u32 $0xFFFFFFFF, v44  }
0x2e: {  	v47, _, _ =	vpop (xrf1)  }
0x2f: {  	v0 =	vadd.s32 $0xF, v46;
	v2, _, _ =	vpop (xrf1)  }
0x30: {  	v2 =	vperm.xlane v2, v0;
	v48, _, _ =	vpop (xrf1)  }
0x31: {  	v4, _, _ =	vpop (xrf1)  }
0x32: {  	v5 =	vmin.f32 v47, v2;
	v4 =	vperm.xlane v4, v0  }
0x33: {  	v1 =	vmax.f32 v47, v2;
	(xrf1) =	vsort.ascd.msk.f32 $0xffff, v5, v5  }
0x34: {  	(xrf1) =	vsort.ascd.msk.f32 $0xffff, v1, v1;
	v49 =	vmin.f32 v48, v4  }
0x35: {  	v50 =	vmax.f32 v48, v4;
	(xrf1) =	vsort.ascd.msk.f32 $0xffff, v49, v49  }
0x36: {  	(xrf1) =	vsort.ascd.msk.f32 $0xffff, v50, v50;
	_ =	sdelay $0xa  }
0x37: {  	v51, _, _ =	vpop (xrf1)  }
0x38: {  	v52, _, _ =	vpop (xrf1)  }
0x39: {  	v53, _, _ =	vpop (xrf1)  }
0x3a: {  	v54, _, _ =	vpop (xrf1)  }
0x3b: {  	v4 =	vperm.xlane v54, v0;
	v0 =	vperm.xlane v53, v0;
	_ =	sdelay $0x1  }
0x3c: {  	v55 =	vmin.f32 v51, v4;
	v56 =	vmin.f32 v52, v0  }
0x3d: {  	v1 =	vmax.f32 v51, v4;
	v57 =	vmin.f32 v55, v56  }
0x3e: {  	v0 =	vmax.f32 v52, v0;
	v58 =	vmax.f32 v55, v56;
	(xrf1) =	vsort.ascd.msk.f32 $0xffff, v57, v57  }
0x3f: {  	v59 =	vmin.f32 v1, v0;
	(xrf1) =	vsort.ascd.msk.f32 $0xffff, v58, v58  }
0x40: {  	v0 =	vmax.f32 v1, v0;
	(xrf1) =	vsort.ascd.msk.f32 $0xffff, v59, v59  }
0x41: {  	(xrf1) =	vsort.ascd.msk.f32 $0xffff, v0, v0;
	_ =	sdelay $0xa  }
0x42: {  	v60, _, _ =	vpop (xrf1)  }
0x43: {  	v61, _, _ =	vpop (xrf1);
	[tilespmem:$0x80] =	vst v60  }
0x44: {  	v62, _, _ =	vpop (xrf1);
	[tilespmem:$0x90] =	vst v61  }
0x45: {  	v63, _, _ =	vpop (xrf1);
	[tilespmem:$0xA0] =	vst v62  }
0x46: {  	s4 =	simm.s32 $0x80;
	[tilespmem:$0xB0] =	vst v63  }
0x47: {  	[hbm4b:s1+s3] =	stream.linear.scatter [tilespmem:s4], [sflag:$0x1], $0x3F, $0x38;
	[tilespmem:$0x100] =	vst v63  }
0x48: {  	_ =	swait.ge [sflag:s31], $0x3F  }
0x49: {  	[sflag:s31] =	ssyncset.done $0x0  }
0x4a: {  	[sflag:s31] =	ssyncadd.s32 $0xFFFFFFC1  }
.LBB2_2:
0x4b: {  	_ =	sfence.sel $0x180000  }
0x4c: {  	[bflag:$0x0] =	sbarrier.arrive $0xFFFF  }
0x4d: {  	_ =	strace $0x90000047  }
0x4e: {  	s0 =	sadd.s32 @!p0 $0x100000, s0;
	[bflag:$0x2] =	sbarrier.arrive $0xFFFF  }
0x4f: {  	[sflag:s0] =	ssyncadd.tile.s32 @!p0 $0x1;
	_ =	shalt  }
.Lfunc_end2:
_tile_overlayer_lowered:
.L_overlay_start_2:
0x50: {  	(tag) =	ssettag $0x2  }
0x51: {  	s0 =	rddreg [dreg:$0x0];
	s2 =	stileid.u32  }
0x52: {  	s1 =	rddreg [dreg:$0x1];
	p0 =	sne.s32 s2, $0x0  }
0x53: {  	s3 =	rddreg [dreg:$0x2];
	[bflag:$0x3] =	sbarrier.arrive $0xFFFF;
	s2 =	simm.s32 @!p0 $0x1C01  }
0x54: {  	[timem:s3], [sflag:s2] =	dma.local @!p0 [hbm:s0], s1  }
0x55: {  	s0 =	simm.s32 @!p0 $0x1  }
0x56: {  	_ =	swait.ge @!p0 [sflag:s0], s1  }
0x57: {  	s1 =	ssub.s32 @!p0 $0x0, s1;
	[sflag:s0] =	ssyncset.done @!p0 $0x0  }
0x58: {  	[sflag:s0] =	ssyncadd.s32 @!p0 s1  }
0x59: {  	[bflag:$0x3] =	sbarrier.arrive $0xFFFF  }
0x5a: {  	_ =	shalt  }

</sc_bundles>
